<compile_context>
chip_gen: v7x
topology: tpu7x:2x2x1
jax: 0.10.2.dev20260603
libtpu: 0.0.44.dev20260713+nightly
codegen_flags: <defaults>
</compile_context>

<pallas_src>
import functools

import numpy as np
import jax
import jax.numpy as jnp
from jax import lax
from jax.experimental import pallas as pl
from jax.experimental.pallas import tpu as pltpu
from jax.experimental.pallas import tpu_sc as plsc

_C_IN, _C_OUT, _R_OUT, _P, _T = 4, 64, 16, 5, 16
_B = _P * _T
_N = 1024
_M = _N * _B
_K = _C_IN * _B
_G = _K * _R_OUT
_KC = _C_OUT * _R_OUT

_NC, _NS = 2, 16
_NW = _NC * _NS
_ROWS_PER_W = _G // _NW
_CHUNK = 80
_NCHUNK = _ROWS_PER_W // _CHUNK

_BM = 4096


def _build_gather_idx() -> np.ndarray:
    b = np.arange(_B)
    ti, pi = b // _P, b % _P
    idx = np.empty((_B, _C_IN, _R_OUT), dtype=np.int32)
    for c in range(_C_IN):
        for j in range(_R_OUT):
            idx[:, c, j] = c * _B + ((ti + j) % _T) * _P + pi
    return idx.reshape(_NW, _NCHUNK, _CHUNK)


_IDX = _build_gather_idx()


def _sc_rotation_gather(weights, idx):
    mesh = plsc.VectorSubcoreMesh(core_axis_name="c", subcore_axis_name="s")

    @functools.partial(
        pl.kernel,
        mesh=mesh,
        out_type=jax.ShapeDtypeStruct((_G, _C_OUT), jnp.float32),
        scratch_types=[
            pltpu.VMEM((_NCHUNK, _CHUNK), jnp.int32),
            pltpu.VMEM((_NCHUNK, _CHUNK, _C_OUT), jnp.float32),
            pltpu.SemaphoreType.DMA,
        ],
        compiler_params=pltpu.CompilerParams(use_tc_tiling_on_sc=False),
    )
    def gather_kernel(w_hbm, idx_hbm, out_hbm, idx_v, rows_v, sem):
        wid = lax.axis_index("s") * _NC + lax.axis_index("c")
        pltpu.sync_copy(idx_hbm.at[wid], idx_v)
        copies = [
            pltpu.async_copy(w_hbm.at[idx_v.at[ch]], rows_v.at[ch], sem)
            for ch in range(_NCHUNK)
        ]
        for c in copies:
            c.wait()
        base = wid * _ROWS_PER_W
        for ch in range(_NCHUNK):
            pltpu.sync_copy(rows_v.at[ch], out_hbm.at[pl.ds(base + ch * _CHUNK, _CHUNK)])

    return gather_kernel(weights, idx)


def _conn_matvec_body(conn_ref, x_ref, h_ref):
    h_ref[...] = jnp.dot(
        conn_ref[...], x_ref[...], preferred_element_type=jnp.float32
    ).astype(jnp.bfloat16)


def _conn_matvec_tc(conn, x):
    return pl.pallas_call(
        _conn_matvec_body,
        grid=(_M // _BM,),
        in_specs=[
            pl.BlockSpec((_BM, _N), lambda i: (i, 0)),
            pl.BlockSpec((_N, _C_IN), lambda i: (0, 0)),
        ],
        out_specs=pl.BlockSpec((_BM, _C_IN), lambda i: (i, 0)),
        out_shape=jax.ShapeDtypeStruct((_M, _C_IN), jnp.bfloat16),
        compiler_params=pltpu.CompilerParams(
            dimension_semantics=("arbitrary",),
            vmem_limit_bytes=100 * 1024 * 1024,
        ),
    )(conn, x)


def _mix_body(hr_ref, cc_ref, o_ref):
    p = lax.broadcasted_iota(jnp.int32, (_KC, _KC), 0)
    q = lax.broadcasted_iota(jnp.int32, (_KC, _KC), 1)
    s = jnp.where(q == (p % _C_OUT) * _R_OUT + p // _C_OUT, 1.0, 0.0)
    lw = jnp.dot(cc_ref[...], s, preferred_element_type=jnp.float32)
    o_ref[...] = jnp.dot(
        hr_ref[...], lw.astype(jnp.bfloat16), preferred_element_type=jnp.float32
    )


def _mix(hr, cc):
    return pl.pallas_call(
        _mix_body,
        out_shape=jax.ShapeDtypeStruct((_N, _KC), jnp.float32),
    )(hr, cc)


def kernel(x, conn, weights):
    cg = _sc_rotation_gather(weights, jnp.asarray(_IDX))
    cc = cg.reshape(_K, _R_OUT * _C_OUT)
    h = _conn_matvec_tc(conn, x)
    hr = h.reshape(_N, _K)
    return _mix(hr, cc)

# --- scband reference (transcript-rebuilt; emitter-appended) ---
"""Pipeline reference for scband-equivariant-layer-34437047779346 (READ-ONLY COPY).

The authoritative reference and input builder live on the scoring server;
editing this copy changes nothing except your own understanding.
"""

import jax, jax.numpy as jnp
import numpy as np

C_IN, C_OUT, R_IN, R_OUT, P, T = 4, 64, 1, 16, 5, 16
B = P * T
N = 1024


def _angle_rotation(v, p, t, R_in):
    pif = v.reshape(-1, p)
    pif_1 = np.zeros_like(pif)
    for i in range(R_in):
        pif_1[i * t:(i + 1) * t - 1, :] = pif[i * t + 1:(i + 1) * t, :]
        pif_1[(i + 1) * t - 1, :] = pif[i * t, :]
    return pif_1.reshape(-1)


def _kernel_rotation(v, p, t):
    pif = v.reshape(-1, t * p)
    pif_1 = np.zeros_like(pif)
    pif_1[1:, :] = pif[:-1, :]
    pif_1[0, :] = pif[-1, :]
    return pif_1.reshape(-1)


def _rotate(C_in, R_in, R_out, p, t):
    Bb = p * t
    x = np.arange(R_in * Bb, dtype=np.int64)
    kernel_small = np.zeros((R_in * Bb, R_out), dtype=np.int64)
    pif = x.copy()
    kernel_small[:, 0] = pif
    for j in range(1, R_out):
        kernel_small[:, j] = _kernel_rotation(_angle_rotation(pif, p, t, R_in), p, t)
        pif = kernel_small[:, j]
    kernel = np.zeros((C_in * R_in * Bb, R_out), dtype=np.int64)
    for i in range(C_in):
        kernel[i * R_in * Bb:(i + 1) * R_in * Bb] = kernel_small + i * R_in * Bb
    return kernel


_ROT_IDX = jnp.asarray(_rotate(C_IN, R_IN, R_OUT, P, T).reshape(-1))


def setup_inputs(seed: int = 0) -> dict:
    key = jax.random.key(seed)
    k1, k2, k3 = jax.random.split(key, 3)
    x = jax.random.normal(k1, (N, C_IN * R_IN), dtype=jnp.float32)
    conn = jax.random.uniform(k2, (N * B, N), dtype=jnp.float32)
    weights = jax.random.normal(k3, (C_IN * R_IN * B, C_OUT), dtype=jnp.float32)
    return {"x": x, "conn": conn, "weights": weights}


def reference(x, conn, weights):
    # index_sparse @ weights == gather rows of weights by the rotation index
    lw = jnp.take(weights, _ROT_IDX, axis=0)
    lw = lw.reshape(C_IN, R_IN, B, R_OUT, C_OUT)
    lw = jnp.transpose(lw, (2, 0, 1, 4, 3)).reshape(C_IN * R_IN * B, -1)
    h = conn @ x
    h = h.reshape(-1, B * C_IN * R_IN)
    return h @ lw

if __name__ == "__main__":
    import jax
    _d = setup_inputs()
    print(jax.jit(kernel)(*tuple(_d.values())))

</pallas_src>

<mosaic_0001>
#map = affine_map<(d0, d1) -> (0, 0)>
#map1 = affine_map<(d0, d1) -> (0, 0, 0)>
module attributes {stable_mosaic.version = 14 : i64} {
  func.func @gather_kernel(%arg0: i32, %arg1: i32, %arg2: memref<320x64xf32, #tpu.memory_space<hbm>>, %arg3: memref<32x2x80xi32, #tpu.memory_space<hbm>>, %arg4: memref<5120x64xf32, #tpu.memory_space<hbm>>, %arg5: memref<2x80xi32, #tpu.memory_space<vmem>>, %arg6: memref<2x80x64xf32, #tpu.memory_space<vmem>>, %arg7: memref<!tpu.dma_semaphore, #tpu.memory_space<semaphore_mem>>) attributes {dimension_semantics = [#tpu.dimension_semantics<core_parallel>, #tpu.dimension_semantics<subcore_parallel>], iteration_bounds = array<i64: 2, 16>, scalar_prefetch = 0 : i64, scratch_operands = 3 : i64, tpu.core_type = #tpu.core_type<sc_vector_subcore>, window_params = [{transform_indices = #map}, {transform_indices = #map1}, {transform_indices = #map}]} {
    %mul3A = arith.constant 2 : i32
    %mul3A_0 = arith.muli %arg1, %mul3A : i32
    %add3A = arith.addi %mul3A_0, %arg0 : i32
    "tpu.region"() ({
      %run_scoped3A_54 = tpu.sem_alloc : memref<!tpu.dma_semaphore, #tpu.memory_space<semaphore_mem>>
      %dma_start3A_55 = arith.constant 0 : i32
      %dma_start3A_56 = arith.constant 0 : i32
      %dma_start3A_57 = tpu.memref_slice %arg3[%add3A, %dma_start3A_55, %dma_start3A_56] : memref<32x2x80xi32, #tpu.memory_space<hbm>> -> memref<1x2x80xi32, #tpu.memory_space<hbm>>
      %dma_start3A_58 = tpu.memref_squeeze %dma_start3A_57 : memref<1x2x80xi32, #tpu.memory_space<hbm>> -> memref<2x80xi32, #tpu.memory_space<hbm>>
      %dma_start3A_59 = arith.constant 0 : i32
      %dma_start3A_60 = arith.constant 0 : i32
      %dma_start3A_61 = tpu.memref_slice %arg3[%add3A, %dma_start3A_59, %dma_start3A_60] : memref<32x2x80xi32, #tpu.memory_space<hbm>> -> memref<1x2x80xi32, #tpu.memory_space<hbm>>
      %dma_start3A_62 = tpu.memref_squeeze %dma_start3A_61 : memref<1x2x80xi32, #tpu.memory_space<hbm>> -> memref<2x80xi32, #tpu.memory_space<hbm>>
      tpu.enqueue_dma source(%dma_start3A_62 : memref<2x80xi32, #tpu.memory_space<hbm>>) target(%arg5 : memref<2x80xi32, #tpu.memory_space<vmem>>) target_semaphore(%run_scoped3A_54 : memref<!tpu.dma_semaphore, #tpu.memory_space<semaphore_mem>>)
      %dma_wait3A_63 = arith.constant 0 : i32
      %dma_wait3A_64 = arith.constant 0 : i32
      %dma_wait3A_65 = tpu.memref_slice %arg3[%add3A, %dma_wait3A_63, %dma_wait3A_64] : memref<32x2x80xi32, #tpu.memory_space<hbm>> -> memref<1x2x80xi32, #tpu.memory_space<hbm>>
      %dma_wait3A_66 = tpu.memref_squeeze %dma_wait3A_65 : memref<1x2x80xi32, #tpu.memory_space<hbm>> -> memref<2x80xi32, #tpu.memory_space<hbm>>
      %dma_wait3A_67 = arith.constant 0 : i32
      %dma_wait3A_68 = arith.constant 0 : i32
      %dma_wait3A_69 = tpu.memref_slice %arg3[%add3A, %dma_wait3A_67, %dma_wait3A_68] : memref<32x2x80xi32, #tpu.memory_space<hbm>> -> memref<1x2x80xi32, #tpu.memory_space<hbm>>
      %dma_wait3A_70 = tpu.memref_squeeze %dma_wait3A_69 : memref<1x2x80xi32, #tpu.memory_space<hbm>> -> memref<2x80xi32, #tpu.memory_space<hbm>>
      tpu.wait_dma2 semaphore(%run_scoped3A_54 : memref<!tpu.dma_semaphore, #tpu.memory_space<semaphore_mem>>) src(%dma_wait3A_70 : memref<2x80xi32, #tpu.memory_space<hbm>>) dst(%arg5 : memref<2x80xi32, #tpu.memory_space<vmem>>)
      tpu.yield
    }) : () -> ()
    %dma_start3A = arith.constant 0 : i32
    %dma_start3A_1 = arith.constant 0 : i32
    %dma_start3A_2 = arith.constant 0 : i32
    %dma_start3A_3 = arith.constant 0 : i32
    %dma_start3A_4 = tpu.memref_slice %arg6[%dma_start3A_1, %dma_start3A_2, %dma_start3A_3] : memref<2x80x64xf32, #tpu.memory_space<vmem>> -> memref<1x80x64xf32, #tpu.memory_space<vmem>>
    %dma_start3A_5 = tpu.memref_squeeze %dma_start3A_4 : memref<1x80x64xf32, #tpu.memory_space<vmem>> -> memref<80x64xf32, #tpu.memory_space<vmem>>
    %dma_start3A_6 = arith.constant 0 : i32
    %dma_start3A_7 = tpu.memref_slice %arg5[%dma_start3A, %dma_start3A_6] : memref<2x80xi32, #tpu.memory_space<vmem>> -> memref<1x80xi32, #tpu.memory_space<vmem>>
    %dma_start3A_8 = tpu.memref_squeeze %dma_start3A_7 : memref<1x80xi32, #tpu.memory_space<vmem>> -> memref<80xi32, #tpu.memory_space<vmem>>
    %dma_start3A_9 = arith.constant 0 : i32
    %dma_start3A_10 = arith.constant 0 : i32
    %dma_start3A_11 = tpu.memref_slice %arg2[%dma_start3A_9, %dma_start3A_10] : memref<320x64xf32, #tpu.memory_space<hbm>> -> memref<320x64xf32, #tpu.memory_space<hbm>>
    tpu.enqueue_indirect_dma source(%dma_start3A_11 : memref<320x64xf32, #tpu.memory_space<hbm>>) target(%dma_start3A_5 : memref<80x64xf32, #tpu.memory_space<vmem>>) offsets(%dma_start3A_8 : memref<80xi32, #tpu.memory_space<vmem>>) semaphore(%arg7 : memref<!tpu.dma_semaphore, #tpu.memory_space<semaphore_mem>>)
    %dma_start3A_12 = arith.constant 1 : i32
    %dma_start3A_13 = arith.constant 1 : i32
    %dma_start3A_14 = arith.constant 0 : i32
    %dma_start3A_15 = arith.constant 0 : i32
    %dma_start3A_16 = tpu.memref_slice %arg6[%dma_start3A_13, %dma_start3A_14, %dma_start3A_15] : memref<2x80x64xf32, #tpu.memory_space<vmem>> -> memref<1x80x64xf32, #tpu.memory_space<vmem>>
    %dma_start3A_17 = tpu.memref_squeeze %dma_start3A_16 : memref<1x80x64xf32, #tpu.memory_space<vmem>> -> memref<80x64xf32, #tpu.memory_space<vmem>>
    %dma_start3A_18 = arith.constant 0 : i32
    %dma_start3A_19 = tpu.memref_slice %arg5[%dma_start3A_12, %dma_start3A_18] : memref<2x80xi32, #tpu.memory_space<vmem>> -> memref<1x80xi32, #tpu.memory_space<vmem>>
    %dma_start3A_20 = tpu.memref_squeeze %dma_start3A_19 : memref<1x80xi32, #tpu.memory_space<vmem>> -> memref<80xi32, #tpu.memory_space<vmem>>
    %dma_start3A_21 = arith.constant 0 : i32
    %dma_start3A_22 = arith.constant 0 : i32
    %dma_start3A_23 = tpu.memref_slice %arg2[%dma_start3A_21, %dma_start3A_22] : memref<320x64xf32, #tpu.memory_space<hbm>> -> memref<320x64xf32, #tpu.memory_space<hbm>>
    tpu.enqueue_indirect_dma source(%dma_start3A_23 : memref<320x64xf32, #tpu.memory_space<hbm>>) target(%dma_start3A_17 : memref<80x64xf32, #tpu.memory_space<vmem>>) offsets(%dma_start3A_20 : memref<80xi32, #tpu.memory_space<vmem>>) semaphore(%arg7 : memref<!tpu.dma_semaphore, #tpu.memory_space<semaphore_mem>>)
    %dma_wait3A = arith.constant 0 : i32
    %dma_wait3A_24 = arith.constant 0 : i32
    %dma_wait3A_25 = arith.constant 0 : i32
    %dma_wait3A_26 = arith.constant 0 : i32
    %dma_wait3A_27 = tpu.memref_slice %arg6[%dma_wait3A_24, %dma_wait3A_25, %dma_wait3A_26] : memref<2x80x64xf32, #tpu.memory_space<vmem>> -> memref<1x80x64xf32, #tpu.memory_space<vmem>>
    %dma_wait3A_28 = tpu.memref_squeeze %dma_wait3A_27 : memref<1x80x64xf32, #tpu.memory_space<vmem>> -> memref<80x64xf32, #tpu.memory_space<vmem>>
    %dma_wait3A_29 = arith.constant 0 : i32
    %dma_wait3A_30 = tpu.memref_slice %arg5[%dma_wait3A, %dma_wait3A_29] : memref<2x80xi32, #tpu.memory_space<vmem>> -> memref<1x80xi32, #tpu.memory_space<vmem>>
    %dma_wait3A_31 = tpu.memref_squeeze %dma_wait3A_30 : memref<1x80xi32, #tpu.memory_space<vmem>> -> memref<80xi32, #tpu.memory_space<vmem>>
    %dma_wait3A_32 = arith.constant 0 : i32
    %dma_wait3A_33 = arith.constant 0 : i32
    %dma_wait3A_34 = tpu.memref_slice %arg2[%dma_wait3A_32, %dma_wait3A_33] : memref<320x64xf32, #tpu.memory_space<hbm>> -> memref<320x64xf32, #tpu.memory_space<hbm>>
    tpu.wait_indirect_dma semaphore(%arg7 : memref<!tpu.dma_semaphore, #tpu.memory_space<semaphore_mem>>) src(%dma_wait3A_34 : memref<320x64xf32, #tpu.memory_space<hbm>>) dst(%dma_wait3A_28 : memref<80x64xf32, #tpu.memory_space<vmem>>)
    %dma_wait3A_35 = arith.constant 1 : i32
    %dma_wait3A_36 = arith.constant 1 : i32
    %dma_wait3A_37 = arith.constant 0 : i32
    %dma_wait3A_38 = arith.constant 0 : i32
    %dma_wait3A_39 = tpu.memref_slice %arg6[%dma_wait3A_36, %dma_wait3A_37, %dma_wait3A_38] : memref<2x80x64xf32, #tpu.memory_space<vmem>> -> memref<1x80x64xf32, #tpu.memory_space<vmem>>
    %dma_wait3A_40 = tpu.memref_squeeze %dma_wait3A_39 : memref<1x80x64xf32, #tpu.memory_space<vmem>> -> memref<80x64xf32, #tpu.memory_space<vmem>>
    %dma_wait3A_41 = arith.constant 0 : i32
    %dma_wait3A_42 = tpu.memref_slice %arg5[%dma_wait3A_35, %dma_wait3A_41] : memref<2x80xi32, #tpu.memory_space<vmem>> -> memref<1x80xi32, #tpu.memory_space<vmem>>
    %dma_wait3A_43 = tpu.memref_squeeze %dma_wait3A_42 : memref<1x80xi32, #tpu.memory_space<vmem>> -> memref<80xi32, #tpu.memory_space<vmem>>
    %dma_wait3A_44 = arith.constant 0 : i32
    %dma_wait3A_45 = arith.constant 0 : i32
    %dma_wait3A_46 = tpu.memref_slice %arg2[%dma_wait3A_44, %dma_wait3A_45] : memref<320x64xf32, #tpu.memory_space<hbm>> -> memref<320x64xf32, #tpu.memory_space<hbm>>
    tpu.wait_indirect_dma semaphore(%arg7 : memref<!tpu.dma_semaphore, #tpu.memory_space<semaphore_mem>>) src(%dma_wait3A_46 : memref<320x64xf32, #tpu.memory_space<hbm>>) dst(%dma_wait3A_40 : memref<80x64xf32, #tpu.memory_space<vmem>>)
    %mul3A_47 = arith.constant 160 : i32
    %mul3A_48 = arith.muli %add3A, %mul3A_47 : i32
    %add3A_49 = arith.constant 0 : i32
    %add3A_50 = arith.addi %mul3A_48, %add3A_49 : i32
    %run_scoped3A = arith.constant 0 : i32
    "tpu.region"() ({
      %run_scoped3A_54 = tpu.sem_alloc : memref<!tpu.dma_semaphore, #tpu.memory_space<semaphore_mem>>
      %dma_start3A_55 = arith.constant 0 : i32
      %dma_start3A_56 = arith.constant 0 : i32
      %dma_start3A_57 = tpu.memref_slice %arg6[%run_scoped3A, %dma_start3A_55, %dma_start3A_56] : memref<2x80x64xf32, #tpu.memory_space<vmem>> -> memref<1x80x64xf32, #tpu.memory_space<vmem>>
      %dma_start3A_58 = tpu.memref_squeeze %dma_start3A_57 : memref<1x80x64xf32, #tpu.memory_space<vmem>> -> memref<80x64xf32, #tpu.memory_space<vmem>>
      %dma_start3A_59 = arith.constant 0 : i32
      %dma_start3A_60 = tpu.memref_slice %arg4[%add3A_50, %dma_start3A_59] : memref<5120x64xf32, #tpu.memory_space<hbm>> -> memref<80x64xf32, #tpu.memory_space<hbm>>
      %dma_start3A_61 = arith.constant 0 : i32
      %dma_start3A_62 = tpu.memref_slice %arg4[%add3A_50, %dma_start3A_61] : memref<5120x64xf32, #tpu.memory_space<hbm>> -> memref<80x64xf32, #tpu.memory_space<hbm>>
      %dma_start3A_63 = arith.constant 0 : i32
      %dma_start3A_64 = arith.constant 0 : i32
      %dma_start3A_65 = tpu.memref_slice %arg6[%run_scoped3A, %dma_start3A_63, %dma_start3A_64] : memref<2x80x64xf32, #tpu.memory_space<vmem>> -> memref<1x80x64xf32, #tpu.memory_space<vmem>>
      %dma_start3A_66 = tpu.memref_squeeze %dma_start3A_65 : memref<1x80x64xf32, #tpu.memory_space<vmem>> -> memref<80x64xf32, #tpu.memory_space<vmem>>
      tpu.enqueue_dma source(%dma_start3A_66 : memref<80x64xf32, #tpu.memory_space<vmem>>) target(%dma_start3A_62 : memref<80x64xf32, #tpu.memory_space<hbm>>) target_semaphore(%run_scoped3A_54 : memref<!tpu.dma_semaphore, #tpu.memory_space<semaphore_mem>>)
      %dma_wait3A_67 = arith.constant 0 : i32
      %dma_wait3A_68 = arith.constant 0 : i32
      %dma_wait3A_69 = tpu.memref_slice %arg6[%run_scoped3A, %dma_wait3A_67, %dma_wait3A_68] : memref<2x80x64xf32, #tpu.memory_space<vmem>> -> memref<1x80x64xf32, #tpu.memory_space<vmem>>
      %dma_wait3A_70 = tpu.memref_squeeze %dma_wait3A_69 : memref<1x80x64xf32, #tpu.memory_space<vmem>> -> memref<80x64xf32, #tpu.memory_space<vmem>>
      %dma_wait3A_71 = arith.constant 0 : i32
      %dma_wait3A_72 = tpu.memref_slice %arg4[%add3A_50, %dma_wait3A_71] : memref<5120x64xf32, #tpu.memory_space<hbm>> -> memref<80x64xf32, #tpu.memory_space<hbm>>
      %dma_wait3A_73 = arith.constant 0 : i32
      %dma_wait3A_74 = tpu.memref_slice %arg4[%add3A_50, %dma_wait3A_73] : memref<5120x64xf32, #tpu.memory_space<hbm>> -> memref<80x64xf32, #tpu.memory_space<hbm>>
      %dma_wait3A_75 = arith.constant 0 : i32
      %dma_wait3A_76 = arith.constant 0 : i32
      %dma_wait3A_77 = tpu.memref_slice %arg6[%run_scoped3A, %dma_wait3A_75, %dma_wait3A_76] : memref<2x80x64xf32, #tpu.memory_space<vmem>> -> memref<1x80x64xf32, #tpu.memory_space<vmem>>
      %dma_wait3A_78 = tpu.memref_squeeze %dma_wait3A_77 : memref<1x80x64xf32, #tpu.memory_space<vmem>> -> memref<80x64xf32, #tpu.memory_space<vmem>>
      tpu.wait_dma2 semaphore(%run_scoped3A_54 : memref<!tpu.dma_semaphore, #tpu.memory_space<semaphore_mem>>) src(%dma_wait3A_78 : memref<80x64xf32, #tpu.memory_space<vmem>>) dst(%dma_wait3A_74 : memref<80x64xf32, #tpu.memory_space<hbm>>)
      tpu.yield
    }) : () -> ()
    %add3A_51 = arith.constant 80 : i32
    %add3A_52 = arith.addi %mul3A_48, %add3A_51 : i32
    %run_scoped3A_53 = arith.constant 1 : i32
    "tpu.region"() ({
      %run_scoped3A_54 = tpu.sem_alloc : memref<!tpu.dma_semaphore, #tpu.memory_space<semaphore_mem>>
      %dma_start3A_55 = arith.constant 0 : i32
      %dma_start3A_56 = arith.constant 0 : i32
      %dma_start3A_57 = tpu.memref_slice %arg6[%run_scoped3A_53, %dma_start3A_55, %dma_start3A_56] : memref<2x80x64xf32, #tpu.memory_space<vmem>> -> memref<1x80x64xf32, #tpu.memory_space<vmem>>
      %dma_start3A_58 = tpu.memref_squeeze %dma_start3A_57 : memref<1x80x64xf32, #tpu.memory_space<vmem>> -> memref<80x64xf32, #tpu.memory_space<vmem>>
      %dma_start3A_59 = arith.constant 0 : i32
      %dma_start3A_60 = tpu.memref_slice %arg4[%add3A_52, %dma_start3A_59] : memref<5120x64xf32, #tpu.memory_space<hbm>> -> memref<80x64xf32, #tpu.memory_space<hbm>>
      %dma_start3A_61 = arith.constant 0 : i32
      %dma_start3A_62 = tpu.memref_slice %arg4[%add3A_52, %dma_start3A_61] : memref<5120x64xf32, #tpu.memory_space<hbm>> -> memref<80x64xf32, #tpu.memory_space<hbm>>
      %dma_start3A_63 = arith.constant 0 : i32
      %dma_start3A_64 = arith.constant 0 : i32
      %dma_start3A_65 = tpu.memref_slice %arg6[%run_scoped3A_53, %dma_start3A_63, %dma_start3A_64] : memref<2x80x64xf32, #tpu.memory_space<vmem>> -> memref<1x80x64xf32, #tpu.memory_space<vmem>>
      %dma_start3A_66 = tpu.memref_squeeze %dma_start3A_65 : memref<1x80x64xf32, #tpu.memory_space<vmem>> -> memref<80x64xf32, #tpu.memory_space<vmem>>
      tpu.enqueue_dma source(%dma_start3A_66 : memref<80x64xf32, #tpu.memory_space<vmem>>) target(%dma_start3A_62 : memref<80x64xf32, #tpu.memory_space<hbm>>) target_semaphore(%run_scoped3A_54 : memref<!tpu.dma_semaphore, #tpu.memory_space<semaphore_mem>>)
      %dma_wait3A_67 = arith.constant 0 : i32
      %dma_wait3A_68 = arith.constant 0 : i32
      %dma_wait3A_69 = tpu.memref_slice %arg6[%run_scoped3A_53, %dma_wait3A_67, %dma_wait3A_68] : memref<2x80x64xf32, #tpu.memory_space<vmem>> -> memref<1x80x64xf32, #tpu.memory_space<vmem>>
      %dma_wait3A_70 = tpu.memref_squeeze %dma_wait3A_69 : memref<1x80x64xf32, #tpu.memory_space<vmem>> -> memref<80x64xf32, #tpu.memory_space<vmem>>
      %dma_wait3A_71 = arith.constant 0 : i32
      %dma_wait3A_72 = tpu.memref_slice %arg4[%add3A_52, %dma_wait3A_71] : memref<5120x64xf32, #tpu.memory_space<hbm>> -> memref<80x64xf32, #tpu.memory_space<hbm>>
      %dma_wait3A_73 = arith.constant 0 : i32
      %dma_wait3A_74 = tpu.memref_slice %arg4[%add3A_52, %dma_wait3A_73] : memref<5120x64xf32, #tpu.memory_space<hbm>> -> memref<80x64xf32, #tpu.memory_space<hbm>>
      %dma_wait3A_75 = arith.constant 0 : i32
      %dma_wait3A_76 = arith.constant 0 : i32
      %dma_wait3A_77 = tpu.memref_slice %arg6[%run_scoped3A_53, %dma_wait3A_75, %dma_wait3A_76] : memref<2x80x64xf32, #tpu.memory_space<vmem>> -> memref<1x80x64xf32, #tpu.memory_space<vmem>>
      %dma_wait3A_78 = tpu.memref_squeeze %dma_wait3A_77 : memref<1x80x64xf32, #tpu.memory_space<vmem>> -> memref<80x64xf32, #tpu.memory_space<vmem>>
      tpu.wait_dma2 semaphore(%run_scoped3A_54 : memref<!tpu.dma_semaphore, #tpu.memory_space<semaphore_mem>>) src(%dma_wait3A_78 : memref<80x64xf32, #tpu.memory_space<vmem>>) dst(%dma_wait3A_74 : memref<80x64xf32, #tpu.memory_space<hbm>>)
      tpu.yield
    }) : () -> ()
    return
  }
}

module attributes {stable_mosaic.version = 14 : i64} {
  func.func @_conn_matvec_body(%arg0: i32, %arg1: memref<4096x1024xf32, #tpu.memory_space<vmem>>, %arg2: memref<1024x4xf32, #tpu.memory_space<vmem>>, %arg3: memref<4096x4xbf16, #tpu.memory_space<vmem>>) attributes {dimension_semantics = [#tpu.dimension_semantics<arbitrary>], iteration_bounds = array<i64: 20>, scalar_prefetch = 0 : i64, scratch_operands = 0 : i64, tpu.core_type = #tpu.core_type<tc>, window_params = [{transform_indices = @transform_0, window_bounds = array<i64: 4096, 1024>}, {pipeline_mode = #tpu.pipeline_mode<synchronous>, transform_indices = @transform_1, window_bounds = array<i64: 1024, 4>}, {transform_indices = @transform_2, window_bounds = array<i64: 4096, 4>}]} {
    %get3A = arith.constant 0 : index
    %get3A_0 = arith.constant 0 : index
    %get3A_1 = vector.load %arg1[%get3A, %get3A_0] : memref<4096x1024xf32, #tpu.memory_space<vmem>>, vector<4096x1024xf32>
    %get3A_2 = arith.constant 0 : index
    %get3A_3 = arith.constant 0 : index
    %get3A_4 = vector.load %arg2[%get3A_2, %get3A_3] : memref<1024x4xf32, #tpu.memory_space<vmem>>, vector<1024x4xf32>
    %dot_general3A = arith.constant dense<0.000000e+00> : vector<4096x4xf32>
    %dot_general3A_5 = tpu.matmul %get3A_1, %get3A_4, %dot_general3A {dimension_numbers = #tpu.dot_dimension_numbers<[1], [0], [0], [1], [0, 0, 1, 1], [], []>, transpose_lhs_hint = false} : vector<4096x1024xf32>, vector<1024x4xf32>, vector<4096x4xf32> -> vector<4096x4xf32>
    %convert_element_type3A = arith.truncf %dot_general3A_5 : vector<4096x4xf32> to vector<4096x4xbf16>
    %swap3A = arith.constant 0 : index
    %swap3A_6 = arith.constant 0 : index
    %swap3A_7 = vector.load %arg3[%swap3A, %swap3A_6] : memref<4096x4xbf16, #tpu.memory_space<vmem>>, vector<4096x4xbf16>
    tpu.vector_store %arg3[%swap3A, %swap3A_6], %convert_element_type3A {strides = array<i32>} : memref<4096x4xbf16, #tpu.memory_space<vmem>>, vector<4096x4xbf16>,
    return
  }
  func.func @transform_0(%arg0: i32) -> (i32, i32) {
    %c0_i32 = arith.constant 0 : i32
    %c0_i32_0 = arith.constant 0 : i32
    return %arg0, %c0_i32 : i32, i32
  }
  func.func @transform_1(%arg0: i32) -> (i32, i32) {
    %c0_i32 = arith.constant 0 : i32
    %c0_i32_0 = arith.constant 0 : i32
    %c0_i32_1 = arith.constant 0 : i32
    return %c0_i32, %c0_i32_0 : i32, i32
  }
  func.func @transform_2(%arg0: i32) -> (i32, i32) {
    %c0_i32 = arith.constant 0 : i32
    %c0_i32_0 = arith.constant 0 : i32
    return %arg0, %c0_i32 : i32, i32
  }
}

module attributes {stable_mosaic.version = 14 : i64} {
  func.func @_mix_body(%arg0: memref<1024x320xbf16, #tpu.memory_space<vmem>>, %arg1: memref<320x1024xf32, #tpu.memory_space<vmem>>, %arg2: memref<1024x1024xf32, #tpu.memory_space<vmem>>) attributes {dimension_semantics = [], scalar_prefetch = 0 : i64, scratch_operands = 0 : i64, tpu.core_type = #tpu.core_type<tc>} {
    %iota3A = tpu.iota {dimensions = array<i32: 0>} : vector<1024x1024xi32>
    %iota3A_0 = tpu.iota {dimensions = array<i32: 1>} : vector<1024x1024xi32>
    %jit3A = arith.constant 64 : i32
    %eq3A = arith.constant 0 : i32
    %eq3A_1 = arith.cmpi eq, %jit3A, %eq3A : i32
    %jit3A_2 = arith.constant 1 : i32
    %select_n3A = arith.select %eq3A_1, %jit3A_2, %jit3A : i32
    %rem3A = vector.broadcast %select_n3A : i32 to vector<1024x1024xi32>
    %rem3A_3 = arith.remsi %iota3A, %rem3A : vector<1024x1024xi32>
    %ne3A = arith.constant 0 : i32
    %ne3A_4 = vector.broadcast %ne3A : i32 to vector<1024x1024xi32>
    %ne3A_5 = arith.cmpi ne, %rem3A_3, %ne3A_4 : vector<1024x1024xi32>
    %lt3A = arith.constant 0 : i32
    %lt3A_6 = vector.broadcast %lt3A : i32 to vector<1024x1024xi32>
    %lt3A_7 = arith.cmpi slt, %rem3A_3, %lt3A_6 : vector<1024x1024xi32>
    %lt3A_8 = arith.constant 0 : i32
    %lt3A_9 = arith.cmpi slt, %select_n3A, %lt3A_8 : i32
    %ne3A_10 = vector.broadcast %lt3A_9 : i1 to vector<1024x1024xi1>
    %ne3A_11 = vector.broadcast %ne3A_10 : vector<1024x1024xi1> to vector<1024x1024xi1>
    %ne3A_12 = arith.xori %lt3A_7, %ne3A_11 : vector<1024x1024xi1>
    %and3A = arith.andi %ne3A_12, %ne3A_5 : vector<1024x1024xi1>
    %add3A = vector.broadcast %select_n3A : i32 to vector<1024x1024xi32>
    %add3A_13 = arith.addi %rem3A_3, %add3A : vector<1024x1024xi32>
    %select_n3A_14 = arith.select %and3A, %add3A_13, %rem3A_3 : vector<1024x1024xi1>, vector<1024x1024xi32>
    %mul3A = arith.constant 16 : i32
    %mul3A_15 = vector.broadcast %mul3A : i32 to vector<1024x1024xi32>
    %mul3A_16 = arith.muli %select_n3A_14, %mul3A_15 : vector<1024x1024xi32>
    %jit3A_17 = arith.constant 64 : i32
    %div3A = vector.broadcast %jit3A_17 : i32 to vector<1024x1024xi32>
    %div3A_18 = arith.divsi %iota3A, %div3A : vector<1024x1024xi32>
    %sign3A = arith.constant 0 : i32
    %sign3A_19 = vector.broadcast %sign3A : i32 to vector<1024x1024xi32>
    %sign3A_20 = arith.cmpi sgt, %iota3A, %sign3A_19 : vector<1024x1024xi32>
    %sign3A_21 = arith.extui %sign3A_20 : vector<1024x1024xi1> to vector<1024x1024xi32>
    %sign3A_22 = arith.constant 0 : i32
    %sign3A_23 = vector.broadcast %sign3A_22 : i32 to vector<1024x1024xi32>
    %sign3A_24 = arith.cmpi slt, %iota3A, %sign3A_23 : vector<1024x1024xi32>
    %sign3A_25 = arith.extui %sign3A_24 : vector<1024x1024xi1> to vector<1024x1024xi32>
    %sign3A_26 = arith.subi %sign3A_21, %sign3A_25 : vector<1024x1024xi32>
    %sign3A_27 = arith.constant 0 : i32
    %sign3A_28 = arith.cmpi sgt, %jit3A_17, %sign3A_27 : i32
    %sign3A_29 = arith.extui %sign3A_28 : i1 to i32
    %sign3A_30 = arith.constant 0 : i32
    %sign3A_31 = arith.cmpi slt, %jit3A_17, %sign3A_30 : i32
    %sign3A_32 = arith.extui %sign3A_31 : i1 to i32
    %sign3A_33 = arith.subi %sign3A_29, %sign3A_32 : i32
    %ne3A_34 = vector.broadcast %sign3A_33 : i32 to vector<1024x1024xi32>
    %ne3A_35 = arith.cmpi ne, %sign3A_26, %ne3A_34 : vector<1024x1024xi32>
    %rem3A_36 = vector.broadcast %jit3A_17 : i32 to vector<1024x1024xi32>
    %rem3A_37 = arith.remsi %iota3A, %rem3A_36 : vector<1024x1024xi32>
    %ne3A_38 = arith.constant 0 : i32
    %ne3A_39 = vector.broadcast %ne3A_38 : i32 to vector<1024x1024xi32>
    %ne3A_40 = arith.cmpi ne, %rem3A_37, %ne3A_39 : vector<1024x1024xi32>
    %and3A_41 = arith.andi %ne3A_35, %ne3A_40 : vector<1024x1024xi1>
    %sub3A = arith.constant 1 : i32
    %sub3A_42 = vector.broadcast %sub3A : i32 to vector<1024x1024xi32>
    %sub3A_43 = arith.subi %div3A_18, %sub3A_42 : vector<1024x1024xi32>
    %select_n3A_44 = arith.select %and3A_41, %sub3A_43, %div3A_18 : vector<1024x1024xi1>, vector<1024x1024xi32>
    %add3A_45 = arith.addi %mul3A_16, %select_n3A_44 : vector<1024x1024xi32>
    %eq3A_46 = arith.cmpi eq, %iota3A_0, %add3A_45 : vector<1024x1024xi32>
    %jit3A_47 = arith.constant 1.000000e+00 : f32
    %jit3A_48 = arith.constant 0.000000e+00 : f32
    %broadcast_in_dim3A = vector.broadcast %jit3A_47 : f32 to vector<1024x1024xf32>
    %broadcast_in_dim3A_49 = vector.broadcast %jit3A_48 : f32 to vector<1024x1024xf32>
    %select_n3A_50 = arith.select %eq3A_46, %broadcast_in_dim3A, %broadcast_in_dim3A_49 : vector<1024x1024xi1>, vector<1024x1024xf32>
    %get3A = arith.constant 0 : index
    %get3A_51 = arith.constant 0 : index
    %get3A_52 = vector.load %arg1[%get3A, %get3A_51] : memref<320x1024xf32, #tpu.memory_space<vmem>>, vector<320x1024xf32>
    %dot_general3A = arith.constant dense<0.000000e+00> : vector<320x1024xf32>
    %dot_general3A_53 = tpu.matmul %get3A_52, %select_n3A_50, %dot_general3A {dimension_numbers = #tpu.dot_dimension_numbers<[1], [0], [0], [1], [0, 0, 1, 1], [], []>, transpose_lhs_hint = false} : vector<320x1024xf32>, vector<1024x1024xf32>, vector<320x1024xf32> -> vector<320x1024xf32>
    %get3A_54 = arith.constant 0 : index
    %get3A_55 = arith.constant 0 : index
    %get3A_56 = vector.load %arg0[%get3A_54, %get3A_55] : memref<1024x320xbf16, #tpu.memory_space<vmem>>, vector<1024x320xbf16>
    %convert_element_type3A = arith.truncf %dot_general3A_53 : vector<320x1024xf32> to vector<320x1024xbf16>
    %dot_general3A_57 = arith.constant dense<0.000000e+00> : vector<1024x1024xf32>
    %dot_general3A_58 = tpu.matmul %get3A_56, %convert_element_type3A, %dot_general3A_57 {dimension_numbers = #tpu.dot_dimension_numbers<[1], [0], [0], [1], [0, 0, 1, 1], [], []>, transpose_lhs_hint = false} : vector<1024x320xbf16>, vector<320x1024xbf16>, vector<1024x1024xf32> -> vector<1024x1024xf32>
    %swap3A = arith.constant 0 : index
    %swap3A_59 = arith.constant 0 : index
    %swap3A_60 = vector.load %arg2[%swap3A, %swap3A_59] : memref<1024x1024xf32, #tpu.memory_space<vmem>>, vector<1024x1024xf32>
    tpu.vector_store %arg2[%swap3A, %swap3A_59], %dot_general3A_58 {strides = array<i32>} : memref<1024x1024xf32, #tpu.memory_space<vmem>>, vector<1024x1024xf32>,
    return
  }
}

</mosaic_0001>

<sc_bundles>
// kernel: kernel.5.cloned.1.call-start
scs
__scs_entry_jumppad:
0x0: {  	(pc) =	sbr.rel $0x88, $3  }
0x1: {  	(tag) =	ssettag $0x0;
	lr =	simm.s32 $0x1  }
0x2: {  	[smem:$0x3F9E] =	sst lr;
	_ =	strace $0xD0000000  }
0x3: {  	_ = 	snop  }
0x4: {  	_ = 	snop  }
0x5: {  	_ = 	snop  }
0x6: {  	_ = 	snop  }
0x7: {  	_ = 	snop  }
__scs_overlays_trampoline_lowered:
0x8: {  	[smem:$0x3FAD] =	sst s0  }
0x9: {  	[smem:$0x3FAE] =	sst s1  }
0xa: {  	[smem:$0x3FAF] =	sst s2  }
0xb: {  	[smem:$0x3FB0] =	sst s3  }
0xc: {  	[smem:$0x3FB1] =	sst s4  }
0xd: {  	[smem:$0x3FB2] =	sst s5  }
0xe: {  	[smem:$0x3FB3] =	sst s6  }
0xf: {  	[smem:$0x3FB4] =	sst s7  }
0x10: {  	[smem:$0x3FB5] =	sst s8  }
0x11: {  	[smem:$0x3FB6] =	sst s9;
	s0 =	simm.s32 @!p0 $0x0  }
0x12: {  	s1 =	sld [smem:$0x3F9C];
	s0 =	simm.s32 @p0 $0x1  }
0x13: {  	[smem:$0x3FB7] =	sst s0;
	s0 =	simm.s32 @!p1 $0x0  }
0x14: {  	s2 =	sld [smem:$0x3F9B];
	s0 =	simm.s32 @p1 $0x1  }
0x15: {  	[smem:$0x3FB8] =	sst s0;
	s0 =	simm.s32 @!p2 $0x0  }
0x16: {  	s3 =	sld [smem:$0x3FDB];
	s0 =	simm.s32 @p2 $0x1  }
0x17: {  	s4 =	simm.s32 $0x1BF5;
	[smem:$0x3FBA] =	sst s0  }
0x18: {  	s0 =	sld [smem:$0x3F9D];
	_ =	swait.ge [sflag:s4], $0x0  }
0x19: {  	s7 =	sld [smem:$0x3F9E]  }
0x1a: {  	s8 =	sadd.s32 $0xFFFFE003, lr  }
0x1b: {  	s9 =	sadd.s32 $0xFFFFFEF7, lr;
	s5 =	simm.s32 $0xFFFFFFFF;
	p2 =	slt.u32 s8, $0xFFFFF086  }
0x1c: {  	p1 =	slt.u32 s9, $0xF7A;
	s5 =	simm.s32 @!p2 $0x0  }
0x1d: {  	s5 =	simm.s32 @p1 $0x1;
	p0 =	seq.s32 s7, s2  }
0x1e: {  	s7 =	smul.u32 @!p0 $0xF7A, s2;
	p2 =	seq.s32 @!p0 s5, $0x0  }
0x1f: {  	s9 =	smul.u32 $0xF7A, s1;
	s8 =	simm.s32 @!p0 $0x1BF5;
	p2 =	por !p2, p0  }
0x20: {  	[sflag:s8] =	ssyncset.s32 @!p0 $0xFFFFF086;
	s6 =	sadd.s32 @!p0 s3, s7;
	s7 =	simm.s32 @!p0 $0x108  }
0x21: {  	s3 =	sadd.s32 s3, s9;
	s6 =	sadd.s32 @!p0 $0x88, s6;
	s7 =	simm.s32 @p2 $0x1082  }
0x22: {  	[simem:s7], [sflag:s8] =	dma.local @!p0 [hbm:s6], $0xF7A  }
0x23: {  	s9 =	sor.u32 $0xD0000000, s2;
	s6 =	simm.s32 $0x108;
	_ =	swait.ge @!p0 [sflag:s8], $0x0  }
0x24: {  	s3 =	sadd.s32 $0x88, s3;
	s6 =	simm.s32 @!p1 $0x1082;
	[sflag:s4] =	ssyncset.s32 $0xFFFFF086  }
0x25: {  	[simem:s6], [sflag:s4] =	dma.local [hbm:s3], $0xF7A  }
0x26: {  	[smem:$0x3F9E] =	sst s1;
	(tag) =	ssettag s2;
	_ =	strace s9  }
0x27: {  	s1 =	sld [smem:$0x3FAE]  }
0x28: {  	s2 =	sld [smem:$0x3FAF]  }
0x29: {  	s4 =	sld [smem:$0x3FB1]  }
0x2a: {  	p0 =	seq.s32 s5, $0x0;
	s5 =	sld [smem:$0x3FB2]  }
0x2b: {  	s6 =	sld [smem:$0x3FB3]  }
0x2c: {  	s7 =	sld [smem:$0x3FB4]  }
0x2d: {  	s3 =	simm.s32 $0x108;
	s8 =	sld [smem:$0x3FB5]  }
0x2e: {  	s3 =	simm.s32 @!p0 $0x1082;
	s9 =	sld [smem:$0x3FB6]  }
0x2f: {  	lr =	sadd.s32 s0, s3;
	s0 =	sld [smem:$0x3FAD]  }
0x30: {  	s3 =	sld [smem:$0x3FB0]  }
0x31: {  	[smem:$0x3FB9] =	sst s10  }
0x32: {  	s10 =	sld [smem:$0x3FB7];
	_ =	sdelay $0x3  }
0x33: {  	p0 =	seq.s32 s10, $0x1;
	s10 =	sld [smem:$0x3FB9];
	_ =	sdelay $0x3  }
0x34: {  	[smem:$0x3FB9] =	sst s10  }
0x35: {  	s10 =	sld [smem:$0x3FB8];
	_ =	sdelay $0x3  }
0x36: {  	p1 =	seq.s32 s10, $0x1;
	s10 =	sld [smem:$0x3FB9];
	_ =	sdelay $0x3  }
0x37: {  	[smem:$0x3FB9] =	sst s10  }
0x38: {  	s10 =	sld [smem:$0x3FBA]  }
0x39: {  	_ = 	snop;
	(pc) =	sbr.ind lr, $3  }
0x3a: {  	_ = 	snop  }
0x3b: {  	_ = 	snop  }
0x3c: {  	p2 =	seq.s32 s10, $0x1;
	s10 =	sld [smem:$0x3FB9]  }
0x3d: {  	_ =	shalt  }
0x3e: {  	_ =	shalt  }
0x3f: {  	_ =	shalt  }
0x40: {  	_ =	shalt  }
0x41: {  	_ =	shalt  }
0x42: {  	_ =	shalt  }
0x43: {  	_ =	shalt  }
0x44: {  	_ =	shalt  }
0x45: {  	_ =	shalt  }
0x46: {  	_ =	shalt  }
0x47: {  	_ =	shalt  }
0x48: {  	_ =	shalt  }
0x49: {  	_ =	shalt  }
0x4a: {  	_ =	shalt  }
0x4b: {  	_ =	shalt  }
0x4c: {  	_ =	shalt  }
0x4d: {  	_ =	shalt  }
0x4e: {  	_ =	shalt  }
0x4f: {  	_ =	shalt  }
0x50: {  	_ =	shalt  }
0x51: {  	_ =	shalt  }
0x52: {  	_ =	shalt  }
0x53: {  	_ =	shalt  }
0x54: {  	_ =	shalt  }
0x55: {  	_ =	shalt  }
0x56: {  	_ =	shalt  }
0x57: {  	_ =	shalt  }
0x58: {  	_ =	shalt  }
0x59: {  	_ =	shalt  }
0x5a: {  	_ =	shalt  }
0x5b: {  	_ =	shalt  }
0x5c: {  	_ =	shalt  }
0x5d: {  	_ =	shalt  }
0x5e: {  	_ =	shalt  }
0x5f: {  	_ =	shalt  }
0x60: {  	_ =	shalt  }
0x61: {  	_ =	shalt  }
0x62: {  	_ =	shalt  }
0x63: {  	_ =	shalt  }
0x64: {  	_ =	shalt  }
0x65: {  	_ =	shalt  }
0x66: {  	_ =	shalt  }
0x67: {  	_ =	shalt  }
0x68: {  	_ =	shalt  }
0x69: {  	_ =	shalt  }
0x6a: {  	_ =	shalt  }
0x6b: {  	_ =	shalt  }
0x6c: {  	_ =	shalt  }
0x6d: {  	_ =	shalt  }
0x6e: {  	_ =	shalt  }
0x6f: {  	_ =	shalt  }
0x70: {  	_ =	shalt  }
0x71: {  	_ =	shalt  }
0x72: {  	_ =	shalt  }
0x73: {  	_ =	shalt  }
0x74: {  	_ =	shalt  }
0x75: {  	_ =	shalt  }
0x76: {  	_ =	shalt  }
0x77: {  	_ =	shalt  }
0x78: {  	_ =	shalt  }
0x79: {  	_ =	shalt  }
0x7a: {  	_ =	shalt  }
0x7b: {  	_ =	shalt  }
0x7c: {  	_ =	shalt  }
0x7d: {  	_ =	shalt  }
0x7e: {  	_ =	shalt  }
0x7f: {  	_ =	shalt  }
0x80: {  	_ =	shalt  }
0x81: {  	_ =	shalt  }
0x82: {  	_ =	shalt  }
0x83: {  	_ =	shalt  }
0x84: {  	_ =	shalt  }
0x85: {  	_ =	shalt  }
0x86: {  	_ =	shalt  }
0x87: {  	_ =	shalt  }
.Lfunc_end0:
.L_simem_size_0:
called_computation_lowered:
.L_overlay_start_0:
0x88: {  	s2 =	sld [smem:$0x3FD9]  }
0x89: {  	s3 =	sld [smem:$0x3FFE];
	_ =	sdelay $0x1  }
0x8a: {  	s1 =	srdreg.scid  }
0x8b: {  	s0 =	sand.u32 $0x1, s1  }
0x8c: {  	s17 =	sshll.u32 s0, $0xA;
	s2 =	sadd.s32 s3, s2  }
0x8d: {  	s2 =	sadd.s32 s2, s17  }
0x8e: {  	[smem:$0x3FC5] =	sst s2  }
0x8f: {  	_ = 	snop  }
0x90: {  	s2 =	sld [smem:$0x3FD0];
	(tm) =	ssettm $0x1  }
0x91: {  	s18 =	sld [smem:$0x3FFB];
	_ =	sdelay $0x3  }
0x92: {  	_ =	strace s18  }
0x93: {  	s3 =	sld [smem:$0x3FFC];
	_ =	sdelay $0x3  }
0x94: {  	_ =	strace s3  }
0x95: {  	s3 =	sld [smem:$0x3FFD];
	_ =	sdelay $0x3  }
0x96: {  	_ =	strace s3  }
0x97: {  	_ =	strace $0x8FFFFFFF  }
0x98: {  	s19 =	sld [smem:$0x3FDB];
	_ =	sdelay $0x1  }
0x99: {  	s4 =	simm.s32 $_scs_section_size  }
0x9a: {  	s5 =	simm.s32 $_size__tile_overlayer_lowered;
	s6 =	simm.s32 $_tile_overlayer_lowered  }
0x9b: {  	s22 =	simm.s32 $0x1BFF;
	s21 =	sshll.u32 s6, $0x1;
	s3 =	sadd.s32 s4, s19  }
0x9c: {  	s7 =	simm.s32 $0x0;
	s20 =	sshll.u32 s5, $0x1;
	s5 =	sadd.s32 s21, s3  }
0x9d: {  	[timem:s7], [sflag:s22] =	dma.local [hbm:s5], s20  }
0x9e: {  	_ =	swait.ge [sflag:s22], s20  }
0x9f: {  	s4 =	ssub.s32 $0x0, s20;
	[sflag:s22] =	ssyncset.done $0x0  }
0xa0: {  	[sflag:s22] =	ssyncadd.s32 s4;
	_ =	sdelay $0x1  }
0xa1: {  	s23 =	simm.s32 $0x1B8B  }
0xa2: {  	_ =	swait.ge [sflag:s23], $0x1  }
0xa3: {  	[sflag:s23] =	ssyncset.done $0x0  }
0xa4: {  	s25 =	simm.s32 $0x1B8E;
	s24 =	sld [smem:$0x3FFE];
	[sflag:s23] =	ssyncadd.s32 $0xFFFFFFFF  }
0xa5: {  	s26 =	simm.s32 $execute0_lowered;
	[smem:$0x3FD2] =	sst s25  }
0xa6: {  	s5 =	sshll.u32 s26, $0x1;
	_ =	strace $0x80000046;
	[dreg:$0x1] =	wrdreg $0xFFFFFFFF  }
0xa7: {  	s28 =	simm.s32 $_size_execute0_lowered;
	s3 =	sadd.s32 s3, s5;
	[dreg:$0x0] =	wrdreg $0x0  }
0xa8: {  	s5 =	sshll.u32 s28, $0x1;
	[dreg:$0x2] =	wrdreg s3  }
0xa9: {  	[dreg:$0x3] =	wrdreg s5  }
0xaa: {  	[dreg:$0x4] =	wrdreg $0xC0  }
0xab: {  	_ =	task [dreg:s7], $0x5FFFF  }
0xac: {  	[dreg:$0x1] =	wrdreg $0xFFFFFFFF  }
0xad: {  	[dreg:$0x0] =	wrdreg $0x60  }
0xae: {  	[dreg:$0x2] =	wrdreg s24  }
0xaf: {  	[dreg:$0x3] =	wrdreg s2  }
0xb0: {  	[dreg:$0x4] =	wrdreg $0x9  }
0xb1: {  	_ =	task.clear_ibuf [dreg:s7], $0x5FFFF;
	_ =	strace $0x90000046  }
0xb2: {  	s29 =	simm.s32 $0x9;
	_ =	strace $0x80000048  }
0xb3: {  	_ =	swait.ge [sflag:s29], $0x1  }
0xb4: {  	[sflag:s29] =	ssyncadd.s32 $0xFFFFFFFF  }
0xb5: {  	_ =	strace $0x90000048  }
0xb6: {  	_ =	sfence  }
0xb7: {  	s30 =	sld [smem:$0x0];
	_ =	sdelay $0x2  }
0xb8: {  	s31 =	sshll.u32 s1, $0xD;
	s1 =	sshrl.u32 s1, $0x2  }
0xb9: {  	s3 =	sand.u32 $0x4000, s31;
	s1 =	sadd.s32 s1, s30  }
0xba: {  	s0 =	sor.u32 s3, s0;
	s1 =	sshll.u32 s1, $0x11  }
0xbb: {  	s0 =	sor.u32 s1, s0  }
0xbc: {  	s0 =	sadd.s32 $0x8F2B, s0  }
0xbd: {  	[sflag:s0] =	ssyncadd.remote.s32 $0x1  }
0xbe: {  	_ =	sfence.sel $0xFFFF  }
0xbf: {  	[dreg:$0x0] =	wrdreg $0xFFFFFFFF;
	(pc) =	sbr.abs _section_cstart, $3  }
0xc0: {  	[dreg:$0x1] =	wrdreg $0xFFFFFFFF  }
0xc1: {  	_ =	task.clear_ibuf [dreg:s7], $0x2FFFF;
	_ =	strace $0x9FFFFFFF  }
0xc2: {  	(tm) =	ssettm $0x7FFFFFFF  }
0xc3: {  	_ =	shalt  }
tec
execute0_lowered:
.L_overlay_start_1:
0x0: {  	(tag) =	ssettag $0x1  }
0x1: {  	s1 =	srdreg.scid;
	s0 =	stileid.u32  }
0x2: {  	s10 =	sand.u32 $0x1, s1;
	s29 =	sshll.u32 s0, $0x1  }
0x3: {  	s5 =	rddreg [dreg:$0x0];
	s11 =	sor.u32 s10, s29  }
0x4: {  	s12 =	rddreg [dreg:$0x1];
	s3 =	smul.u32 $0x14, s11  }
0x5: {  	s2 =	simm.s32 $0x0;
	s1 =	rddreg [dreg:$0x2]  }
0x6: {  	[smem:$0x7FF] =	sst s2;
	s3 =	sadd.s32 s3, s5  }
0x7: {  	_ =	strace $0x80000047;
	s4 =	sadd.s32 $0x1000, s3;
	s3 =	simm.s32 $0x2  }
0x8: {  	[tilespmem:s2], [sflag:$0x2] =	stream.linear.gather [hbm4b:s4+s2], $0xA0, $0x38;
	[tilespmem:$0x28A0] =	vst v63  }
0x9: {  	_ =	swait.ge [sflag:s3], $0xA0  }
0xa: {  	s6 =	simm.s32 $0x50;
	[sflag:s3] =	ssyncset.done $0x0  }
0xb: {  	s7 =	simm.s32 $0xA0;
	s5 =	sadd.s32 $0x600, s5;
	[sflag:s3] =	ssyncadd.s32 $0xFFFFFF60  }
0xc: {  	[tilespmem:s7], [sflag:$0x1] =	stream.indirect.gather [hbm4b:s5+s6], $0x40, s2, s6, $0xb8;
	[tilespmem:$0x28A0] =	vst v63  }
0xd: {  	s8 =	simm.s32 $0x14A0;
	s9 =	simm.s32 $0x1  }
0xe: {  	[tilespmem:s8], [sflag:$0x1] =	stream.indirect.gather [hbm4b:s5+s6], $0x40, s6, s6, $0xb8;
	[tilespmem:$0x28A0] =	vst v63  }
0xf: {  	_ =	swait.ge [sflag:s9], $0x1400  }
0x10: {  	[sflag:s9] =	ssyncset.done $0x0  }
0x11: {  	s14 =	ssub.s32 $0x2, s10;
	s13 =	smul.u32 $0x500, s11;
	[sflag:s9] =	ssyncadd.s32 $0xFFFFEC00  }
0x12: {  	s30 =	sshrl.u32 s14, $0x1;
	_ =	swait.ge [sflag:s9], $0x1400  }
0x13: {  	s10 =	sadd.s32 s12, s13;
	s13 =	ssub.s32 s14, s30;
	[sflag:s9] =	ssyncset.done $0x0  }
0x14: {  	s11 =	smul.u32 $0x2800, s11;
	s31 =	smax.u32 s13, $0x1;
	[sflag:s9] =	ssyncadd.s32 $0xFFFFEC00  }
0x15: {  	[hbm4b:s10+s2] =	stream.linear.scatter [tilespmem:s7], [sflag:$0x2], $0x1400, $0x38;
	[tilespmem:$0x28A0] =	vst v63  }
0x16: {  	s11 =	sshrl.u32 s11, $0x3;
	p0 =	sne.s32 s31, $0x1;
	_ =	swait.ge [sflag:s3], $0x1400  }
.Ltmp0:
0x17: {  	s11 =	sadd.s32 s12, s11;
	[sflag:s3] =	ssyncset.done $0x0;
	(pc) =	sbr.rel @!p0 .LBB2_2-.Ltmp0, $4  }
0x18: {  	s11 =	sadd.s32 $0x280, s11;
	[sflag:s3] =	ssyncadd.s32 $0xFFFFEC00  }
0x19: {  	[hbm4b:s11+s2] =	stream.linear.scatter [tilespmem:s8], [sflag:$0x2], $0x1400, $0x38;
	[tilespmem:$0x28A0] =	vst v63  }
0x1a: {  	_ =	swait.ge [sflag:s3], $0x1400  }
0x1b: {  	s12 =	sadd.s32 $0xFFFFFFFF, s31;
	[sflag:s3] =	ssyncset.done $0x0  }
.LBB2_1:
0x1c: {  	p0 =	sne.s32 s12, $0x1;
	s12 =	sadd.s32 $0xFFFFFFFF, s12;
	[sflag:s3] =	ssyncadd.s32 $0xFFFFEC00  }
0x1d: {  	[tilespmem:s2], [sflag:$0x2] =	stream.linear.gather [hbm4b:s4+s2], $0xA0, $0x38;
	[tilespmem:$0x28A0] =	vst v63  }
0x1e: {  	_ =	swait.ge [sflag:s3], $0xA0  }
0x1f: {  	[sflag:s3] =	ssyncset.done $0x0  }
0x20: {  	[sflag:s3] =	ssyncadd.s32 $0xFFFFFF60  }
0x21: {  	[tilespmem:s7], [sflag:$0x1] =	stream.indirect.gather [hbm4b:s5+s6], $0x40, s2, s6, $0xb8;
	[tilespmem:$0x28A0] =	vst v63  }
0x22: {  	_ = 	snop  }
0x23: {  	[tilespmem:s8], [sflag:$0x1] =	stream.indirect.gather [hbm4b:s5+s6], $0x40, s6, s6, $0xb8;
	[tilespmem:$0x28A0] =	vst v63  }
0x24: {  	_ =	swait.ge [sflag:s9], $0x1400  }
0x25: {  	[sflag:s9] =	ssyncset.done $0x0  }
0x26: {  	[sflag:s9] =	ssyncadd.s32 $0xFFFFEC00  }
0x27: {  	_ =	swait.ge [sflag:s9], $0x1400  }
0x28: {  	[sflag:s9] =	ssyncset.done $0x0  }
0x29: {  	[sflag:s9] =	ssyncadd.s32 $0xFFFFEC00  }
0x2a: {  	[hbm4b:s10+s2] =	stream.linear.scatter [tilespmem:s7], [sflag:$0x2], $0x1400, $0x38;
	[tilespmem:$0x28A0] =	vst v63  }
0x2b: {  	_ =	swait.ge [sflag:s3], $0x1400  }
.Ltmp1:
0x2c: {  	[sflag:s3] =	ssyncset.done $0x0;
	(pc) =	sbr.rel @p0 .LBB2_1-.Ltmp1, $4  }
0x2d: {  	[sflag:s3] =	ssyncadd.s32 $0xFFFFEC00  }
0x2e: {  	[hbm4b:s11+s2] =	stream.linear.scatter [tilespmem:s8], [sflag:$0x2], $0x1400, $0x38;
	[tilespmem:$0x28A0] =	vst v63  }
0x2f: {  	_ =	swait.ge [sflag:s3], $0x1400  }
0x30: {  	[sflag:s3] =	ssyncset.done $0x0  }
.LBB2_2:
0x31: {  	[sflag:s3] =	ssyncadd.s32 $0xFFFFEC00  }
0x32: {  	_ =	sfence.sel $0x180000  }
0x33: {  	[bflag:$0x0] =	sbarrier.arrive $0xFFFF  }
0x34: {  	p0 =	sne.s32 s0, $0x0;
	_ =	strace $0x90000047  }
0x35: {  	s0 =	sadd.s32 @!p0 $0x100000, s1;
	[bflag:$0x2] =	sbarrier.arrive $0xFFFF  }
0x36: {  	[sflag:s0] =	ssyncadd.tile.s32 @!p0 $0x1;
	_ =	shalt  }
.Lfunc_end2:
_tile_overlayer_lowered:
.L_overlay_start_2:
0x37: {  	(tag) =	ssettag $0x2  }
0x38: {  	s0 =	rddreg [dreg:$0x0];
	s2 =	stileid.u32  }
0x39: {  	s1 =	rddreg [dreg:$0x1];
	p0 =	sne.s32 s2, $0x0  }
0x3a: {  	s3 =	rddreg [dreg:$0x2];
	[bflag:$0x3] =	sbarrier.arrive $0xFFFF;
	s2 =	simm.s32 @!p0 $0x1C02  }
0x3b: {  	[timem:s3], [sflag:s2] =	dma.local @!p0 [hbm:s0], s1  }
0x3c: {  	s0 =	simm.s32 @!p0 $0x2  }
0x3d: {  	_ =	swait.ge @!p0 [sflag:s0], s1  }
0x3e: {  	s1 =	ssub.s32 @!p0 $0x0, s1;
	[sflag:s0] =	ssyncset.done @!p0 $0x0  }
0x3f: {  	[sflag:s0] =	ssyncadd.s32 @!p0 s1  }
0x40: {  	[bflag:$0x3] =	sbarrier.arrive $0xFFFF  }
0x41: {  	_ =	shalt  }

</sc_bundles>
